<compile_context>
chip_gen: v7x
topology: tpu7x:2x2x1
jax: 0.10.2.dev20260603
libtpu: 0.0.44.dev20260713+nightly
codegen_flags: <defaults>
</compile_context>

<pallas_src>
import functools

import jax
import jax.numpy as jnp
from jax import lax
from jax.experimental import pallas as pl
from jax.experimental.pallas import tpu as pltpu
from jax.experimental.pallas import tpu_sc as plsc

_B = 16384
_V = 1000000
_D = 16
_NC = 2
_NS = 16
_NW = _NC * _NS
_BPW = _B // _NW
_CHUNK = 128
_NCHUNK = _BPW // _CHUNK
_G = _BPW // _D

_BC = 65536
_NBLK = -(-_V // _BC)
_PS = _NBLK * _BC

_mesh = plsc.VectorSubcoreMesh(core_axis_name="c", subcore_axis_name="s")


def _proj_body(e1_ref, e2_ref, wm_ref, b_ref, p0_ref, p1_ref, p2_ref):
    e1 = e1_ref[...]
    e2 = e2_ref[...]
    wm = wm_ref[...]
    p01 = jax.lax.dot_general(
        wm[0:2], e1, (((1,), (0,)), ((), ())),
        preferred_element_type=jnp.float32)
    p2 = jax.lax.dot_general(
        wm[2:3], e2, (((1,), (0,)), ((), ())),
        preferred_element_type=jnp.float32)
    p0_ref[...] = p01[0]
    p1_ref[...] = p01[1]
    p2_ref[...] = p2[0] + b_ref[0, 0]


_proj = pl.pallas_call(
    _proj_body,
    grid=(_NBLK,),
    in_specs=[
        pl.BlockSpec((_D, _BC), lambda i: (0, i)),
        pl.BlockSpec((_D, _BC), lambda i: (0, i)),
        pl.BlockSpec((3, _D), lambda i: (0, 0)),
        pl.BlockSpec(memory_space=pltpu.SMEM),
    ],
    out_specs=[
        pl.BlockSpec((_BC,), lambda i: (i,)),
        pl.BlockSpec((_BC,), lambda i: (i,)),
        pl.BlockSpec((_BC,), lambda i: (i,)),
    ],
    out_shape=[
        jax.ShapeDtypeStruct((_PS,), jnp.float32),
        jax.ShapeDtypeStruct((_PS,), jnp.float32),
        jax.ShapeDtypeStruct((_PS,), jnp.float32),
    ],
)


@functools.partial(
    pl.kernel,
    out_type=jax.ShapeDtypeStruct((_NW, _BPW), jnp.float32),
    mesh=_mesh,
    scratch_types=[
        pltpu.VMEM((_NCHUNK, _CHUNK), jnp.int32),
        pltpu.VMEM((_NCHUNK, _CHUNK), jnp.int32),
        pltpu.VMEM((_NCHUNK, _CHUNK), jnp.int32),
        pltpu.VMEM((_BPW,), jnp.float32),
        pltpu.VMEM((_BPW,), jnp.float32),
        pltpu.VMEM((_BPW,), jnp.float32),
        pltpu.VMEM((_BPW,), jnp.float32),
        pltpu.SemaphoreType.DMA,
    ],
    compiler_params=pltpu.CompilerParams(
        needs_layout_passes=False, use_tc_tiling_on_sc=False),
)
def _gather_add_sc(f1_hbm, f2_hbm, f3_hbm, p0_hbm, p1_hbm, p2_hbm, out_hbm,
                   idx1, idx2, idx3, g1, g2, g3, out_v, sem):
    wid = lax.axis_index("s") * _NC + lax.axis_index("c")

    pltpu.sync_copy(f1_hbm.at[wid], idx1)
    pltpu.sync_copy(f2_hbm.at[wid], idx2)
    pltpu.sync_copy(f3_hbm.at[wid], idx3)

    copies = []
    for j in range(_NCHUNK):
        sl = pl.ds(j * _CHUNK, _CHUNK)
        copies.append(pltpu.async_copy(p0_hbm.at[idx1.at[j]], g1.at[sl], sem))
        copies.append(pltpu.async_copy(p1_hbm.at[idx2.at[j]], g2.at[sl], sem))
        copies.append(pltpu.async_copy(p2_hbm.at[idx3.at[j]], g3.at[sl], sem))
    for cp in copies:
        cp.wait()

    def group_body(g, carry):
        sl = pl.ds(g * _D, _D)
        out_v[sl] = g1[sl] + g2[sl] + g3[sl]
        return carry

    lax.fori_loop(0, _G, group_body, 0)

    pltpu.sync_copy(out_v, out_hbm.at[wid])


def kernel(f1, f2, f3, emb1, emb2, W, b):
    f1 = f1.astype(jnp.int32).reshape(_NW, _NCHUNK, _CHUNK)
    f2 = f2.astype(jnp.int32).reshape(_NW, _NCHUNK, _CHUNK)
    f3 = f3.astype(jnp.int32).reshape(_NW, _NCHUNK, _CHUNK)
    wm = W.astype(jnp.float32).reshape(3, _D)
    bm = b.astype(jnp.float32).reshape(1, 1)
    p0, p1, p2 = _proj(emb1.T, emb2.T, wm, bm)
    out = _gather_add_sc(f1, f2, f3, p0, p1, p2)
    return out.reshape(_B, 1)

# --- scband reference (transcript-rebuilt; emitter-appended) ---
"""Pipeline reference for scband-keras-embedding-model-27530740367631 (READ-ONLY COPY).

The authoritative reference and input builder live on the scoring server;
editing this copy changes nothing except your own understanding.
"""

import jax, jax.numpy as jnp
import numpy as np

B = 16384
V = 1000000
D = 16

def setup_inputs(seed: int = 0) -> dict:
    key = jax.random.key(seed)
    k1, k2, k3, k4, k5, k6 = jax.random.split(key, 6)
    f1 = jax.random.randint(k1, (B,), 0, V)
    f2 = jax.random.randint(k2, (B,), 0, V)
    f3 = jax.random.randint(k3, (B,), 0, V)
    emb1 = jax.random.normal(k4, (V, D), dtype=jnp.float32) * 0.05
    emb2 = jax.random.normal(k5, (V, D), dtype=jnp.float32) * 0.05
    kw, kb = jax.random.split(k6)
    W = jax.random.normal(kw, (3 * D, 1), dtype=jnp.float32) * 0.05
    b = jnp.zeros((1,), dtype=jnp.float32)
    return {"f1": f1, "f2": f2, "f3": f3, "emb1": emb1, "emb2": emb2, "W": W, "b": b}

def reference(f1, f2, f3, emb1, emb2, W, b):
    # embedding_1 used for both f1 and f2; embedding_2 for f3 (matches original call())
    e1 = jnp.take(emb1, f1, axis=0)          # [B, D]
    e2 = jnp.take(emb1, f2, axis=0)          # [B, D]
    e3 = jnp.take(emb2, f3, axis=0)          # [B, D]
    x = jnp.concatenate([e1, e2, e3], axis=-1)  # [B, 3D]
    x = x.reshape((x.shape[0], -1))             # Flatten (no-op for 2D)
    out = x @ W + b                              # Dense(1)
    return out

if __name__ == "__main__":
    import jax
    _d = setup_inputs()
    print(jax.jit(kernel)(*tuple(_d.values())))

</pallas_src>

<mosaic_0001>
#map = affine_map<(d0, d1) -> (0, 0, 0)>
#map1 = affine_map<(d0, d1) -> (0)>
#map2 = affine_map<(d0, d1) -> (0, 0)>
module attributes {stable_mosaic.version = 14 : i64} {
  func.func @_gather_add_sc(%arg0: i32, %arg1: i32, %arg2: memref<32x4x128xi32, #tpu.memory_space<hbm>>, %arg3: memref<32x4x128xi32, #tpu.memory_space<hbm>>, %arg4: memref<32x4x128xi32, #tpu.memory_space<hbm>>, %arg5: memref<1048576xf32, #tpu.memory_space<hbm>>, %arg6: memref<1048576xf32, #tpu.memory_space<hbm>>, %arg7: memref<1048576xf32, #tpu.memory_space<hbm>>, %arg8: memref<32x512xf32, #tpu.memory_space<hbm>>, %arg9: memref<4x128xi32, #tpu.memory_space<vmem>>, %arg10: memref<4x128xi32, #tpu.memory_space<vmem>>, %arg11: memref<4x128xi32, #tpu.memory_space<vmem>>, %arg12: memref<512xf32, #tpu.memory_space<vmem>>, %arg13: memref<512xf32, #tpu.memory_space<vmem>>, %arg14: memref<512xf32, #tpu.memory_space<vmem>>, %arg15: memref<512xf32, #tpu.memory_space<vmem>>, %arg16: memref<!tpu.dma_semaphore, #tpu.memory_space<semaphore_mem>>) attributes {dimension_semantics = [#tpu.dimension_semantics<core_parallel>, #tpu.dimension_semantics<subcore_parallel>], iteration_bounds = array<i64: 2, 16>, scalar_prefetch = 0 : i64, scratch_operands = 8 : i64, tpu.core_type = #tpu.core_type<sc_vector_subcore>, window_params = [{transform_indices = #map}, {transform_indices = #map}, {transform_indices = #map}, {transform_indices = #map1}, {transform_indices = #map1}, {transform_indices = #map1}, {transform_indices = #map2}]} {
    %mul3A = arith.constant 2 : i32
    %mul3A_0 = arith.muli %arg1, %mul3A : i32
    %add3A = arith.addi %mul3A_0, %arg0 : i32
    "tpu.region"() ({
      %run_scoped3A = tpu.sem_alloc : memref<!tpu.dma_semaphore, #tpu.memory_space<semaphore_mem>>
      %dma_start3A_196 = arith.constant 0 : i32
      %dma_start3A_197 = arith.constant 0 : i32
      %dma_start3A_198 = tpu.memref_slice %arg2[%add3A, %dma_start3A_196, %dma_start3A_197] : memref<32x4x128xi32, #tpu.memory_space<hbm>> -> memref<1x4x128xi32, #tpu.memory_space<hbm>>
      %dma_start3A_199 = tpu.memref_squeeze %dma_start3A_198 : memref<1x4x128xi32, #tpu.memory_space<hbm>> -> memref<4x128xi32, #tpu.memory_space<hbm>>
      %dma_start3A_200 = arith.constant 0 : i32
      %dma_start3A_201 = arith.constant 0 : i32
      %dma_start3A_202 = tpu.memref_slice %arg2[%add3A, %dma_start3A_200, %dma_start3A_201] : memref<32x4x128xi32, #tpu.memory_space<hbm>> -> memref<1x4x128xi32, #tpu.memory_space<hbm>>
      %dma_start3A_203 = tpu.memref_squeeze %dma_start3A_202 : memref<1x4x128xi32, #tpu.memory_space<hbm>> -> memref<4x128xi32, #tpu.memory_space<hbm>>
      tpu.enqueue_dma source(%dma_start3A_203 : memref<4x128xi32, #tpu.memory_space<hbm>>) target(%arg9 : memref<4x128xi32, #tpu.memory_space<vmem>>) target_semaphore(%run_scoped3A : memref<!tpu.dma_semaphore, #tpu.memory_space<semaphore_mem>>)
      %dma_wait3A_204 = arith.constant 0 : i32
      %dma_wait3A_205 = arith.constant 0 : i32
      %dma_wait3A_206 = tpu.memref_slice %arg2[%add3A, %dma_wait3A_204, %dma_wait3A_205] : memref<32x4x128xi32, #tpu.memory_space<hbm>> -> memref<1x4x128xi32, #tpu.memory_space<hbm>>
      %dma_wait3A_207 = tpu.memref_squeeze %dma_wait3A_206 : memref<1x4x128xi32, #tpu.memory_space<hbm>> -> memref<4x128xi32, #tpu.memory_space<hbm>>
      %dma_wait3A_208 = arith.constant 0 : i32
      %dma_wait3A_209 = arith.constant 0 : i32
      %dma_wait3A_210 = tpu.memref_slice %arg2[%add3A, %dma_wait3A_208, %dma_wait3A_209] : memref<32x4x128xi32, #tpu.memory_space<hbm>> -> memref<1x4x128xi32, #tpu.memory_space<hbm>>
      %dma_wait3A_211 = tpu.memref_squeeze %dma_wait3A_210 : memref<1x4x128xi32, #tpu.memory_space<hbm>> -> memref<4x128xi32, #tpu.memory_space<hbm>>
      tpu.wait_dma2 semaphore(%run_scoped3A : memref<!tpu.dma_semaphore, #tpu.memory_space<semaphore_mem>>) src(%dma_wait3A_211 : memref<4x128xi32, #tpu.memory_space<hbm>>) dst(%arg9 : memref<4x128xi32, #tpu.memory_space<vmem>>)
      tpu.yield
    }) : () -> ()
    "tpu.region"() ({
      %run_scoped3A = tpu.sem_alloc : memref<!tpu.dma_semaphore, #tpu.memory_space<semaphore_mem>>
      %dma_start3A_196 = arith.constant 0 : i32
      %dma_start3A_197 = arith.constant 0 : i32
      %dma_start3A_198 = tpu.memref_slice %arg3[%add3A, %dma_start3A_196, %dma_start3A_197] : memref<32x4x128xi32, #tpu.memory_space<hbm>> -> memref<1x4x128xi32, #tpu.memory_space<hbm>>
      %dma_start3A_199 = tpu.memref_squeeze %dma_start3A_198 : memref<1x4x128xi32, #tpu.memory_space<hbm>> -> memref<4x128xi32, #tpu.memory_space<hbm>>
      %dma_start3A_200 = arith.constant 0 : i32
      %dma_start3A_201 = arith.constant 0 : i32
      %dma_start3A_202 = tpu.memref_slice %arg3[%add3A, %dma_start3A_200, %dma_start3A_201] : memref<32x4x128xi32, #tpu.memory_space<hbm>> -> memref<1x4x128xi32, #tpu.memory_space<hbm>>
      %dma_start3A_203 = tpu.memref_squeeze %dma_start3A_202 : memref<1x4x128xi32, #tpu.memory_space<hbm>> -> memref<4x128xi32, #tpu.memory_space<hbm>>
      tpu.enqueue_dma source(%dma_start3A_203 : memref<4x128xi32, #tpu.memory_space<hbm>>) target(%arg10 : memref<4x128xi32, #tpu.memory_space<vmem>>) target_semaphore(%run_scoped3A : memref<!tpu.dma_semaphore, #tpu.memory_space<semaphore_mem>>)
      %dma_wait3A_204 = arith.constant 0 : i32
      %dma_wait3A_205 = arith.constant 0 : i32
      %dma_wait3A_206 = tpu.memref_slice %arg3[%add3A, %dma_wait3A_204, %dma_wait3A_205] : memref<32x4x128xi32, #tpu.memory_space<hbm>> -> memref<1x4x128xi32, #tpu.memory_space<hbm>>
      %dma_wait3A_207 = tpu.memref_squeeze %dma_wait3A_206 : memref<1x4x128xi32, #tpu.memory_space<hbm>> -> memref<4x128xi32, #tpu.memory_space<hbm>>
      %dma_wait3A_208 = arith.constant 0 : i32
      %dma_wait3A_209 = arith.constant 0 : i32
      %dma_wait3A_210 = tpu.memref_slice %arg3[%add3A, %dma_wait3A_208, %dma_wait3A_209] : memref<32x4x128xi32, #tpu.memory_space<hbm>> -> memref<1x4x128xi32, #tpu.memory_space<hbm>>
      %dma_wait3A_211 = tpu.memref_squeeze %dma_wait3A_210 : memref<1x4x128xi32, #tpu.memory_space<hbm>> -> memref<4x128xi32, #tpu.memory_space<hbm>>
      tpu.wait_dma2 semaphore(%run_scoped3A : memref<!tpu.dma_semaphore, #tpu.memory_space<semaphore_mem>>) src(%dma_wait3A_211 : memref<4x128xi32, #tpu.memory_space<hbm>>) dst(%arg10 : memref<4x128xi32, #tpu.memory_space<vmem>>)
      tpu.yield
    }) : () -> ()
    "tpu.region"() ({
      %run_scoped3A = tpu.sem_alloc : memref<!tpu.dma_semaphore, #tpu.memory_space<semaphore_mem>>
      %dma_start3A_196 = arith.constant 0 : i32
      %dma_start3A_197 = arith.constant 0 : i32
      %dma_start3A_198 = tpu.memref_slice %arg4[%add3A, %dma_start3A_196, %dma_start3A_197] : memref<32x4x128xi32, #tpu.memory_space<hbm>> -> memref<1x4x128xi32, #tpu.memory_space<hbm>>
      %dma_start3A_199 = tpu.memref_squeeze %dma_start3A_198 : memref<1x4x128xi32, #tpu.memory_space<hbm>> -> memref<4x128xi32, #tpu.memory_space<hbm>>
      %dma_start3A_200 = arith.constant 0 : i32
      %dma_start3A_201 = arith.constant 0 : i32
      %dma_start3A_202 = tpu.memref_slice %arg4[%add3A, %dma_start3A_200, %dma_start3A_201] : memref<32x4x128xi32, #tpu.memory_space<hbm>> -> memref<1x4x128xi32, #tpu.memory_space<hbm>>
      %dma_start3A_203 = tpu.memref_squeeze %dma_start3A_202 : memref<1x4x128xi32, #tpu.memory_space<hbm>> -> memref<4x128xi32, #tpu.memory_space<hbm>>
      tpu.enqueue_dma source(%dma_start3A_203 : memref<4x128xi32, #tpu.memory_space<hbm>>) target(%arg11 : memref<4x128xi32, #tpu.memory_space<vmem>>) target_semaphore(%run_scoped3A : memref<!tpu.dma_semaphore, #tpu.memory_space<semaphore_mem>>)
      %dma_wait3A_204 = arith.constant 0 : i32
      %dma_wait3A_205 = arith.constant 0 : i32
      %dma_wait3A_206 = tpu.memref_slice %arg4[%add3A, %dma_wait3A_204, %dma_wait3A_205] : memref<32x4x128xi32, #tpu.memory_space<hbm>> -> memref<1x4x128xi32, #tpu.memory_space<hbm>>
      %dma_wait3A_207 = tpu.memref_squeeze %dma_wait3A_206 : memref<1x4x128xi32, #tpu.memory_space<hbm>> -> memref<4x128xi32, #tpu.memory_space<hbm>>
      %dma_wait3A_208 = arith.constant 0 : i32
      %dma_wait3A_209 = arith.constant 0 : i32
      %dma_wait3A_210 = tpu.memref_slice %arg4[%add3A, %dma_wait3A_208, %dma_wait3A_209] : memref<32x4x128xi32, #tpu.memory_space<hbm>> -> memref<1x4x128xi32, #tpu.memory_space<hbm>>
      %dma_wait3A_211 = tpu.memref_squeeze %dma_wait3A_210 : memref<1x4x128xi32, #tpu.memory_space<hbm>> -> memref<4x128xi32, #tpu.memory_space<hbm>>
      tpu.wait_dma2 semaphore(%run_scoped3A : memref<!tpu.dma_semaphore, #tpu.memory_space<semaphore_mem>>) src(%dma_wait3A_211 : memref<4x128xi32, #tpu.memory_space<hbm>>) dst(%arg11 : memref<4x128xi32, #tpu.memory_space<vmem>>)
      tpu.yield
    }) : () -> ()
    %dma_start3A = arith.constant 0 : i32
    %dma_start3A_1 = arith.constant 0 : i32
    %dma_start3A_2 = tpu.memref_slice %arg12[%dma_start3A_1] : memref<512xf32, #tpu.memory_space<vmem>> -> memref<128xf32, #tpu.memory_space<vmem>>
    %dma_start3A_3 = arith.constant 0 : i32
    %dma_start3A_4 = tpu.memref_slice %arg9[%dma_start3A, %dma_start3A_3] : memref<4x128xi32, #tpu.memory_space<vmem>> -> memref<1x128xi32, #tpu.memory_space<vmem>>
    %dma_start3A_5 = tpu.memref_squeeze %dma_start3A_4 : memref<1x128xi32, #tpu.memory_space<vmem>> -> memref<128xi32, #tpu.memory_space<vmem>>
    %dma_start3A_6 = arith.constant 0 : i32
    %dma_start3A_7 = tpu.memref_slice %arg5[%dma_start3A_6] : memref<1048576xf32, #tpu.memory_space<hbm>> -> memref<1048576xf32, #tpu.memory_space<hbm>>
    tpu.enqueue_indirect_dma source(%dma_start3A_7 : memref<1048576xf32, #tpu.memory_space<hbm>>) target(%dma_start3A_2 : memref<128xf32, #tpu.memory_space<vmem>>) offsets(%dma_start3A_5 : memref<128xi32, #tpu.memory_space<vmem>>) semaphore(%arg16 : memref<!tpu.dma_semaphore, #tpu.memory_space<semaphore_mem>>)
    %dma_start3A_8 = arith.constant 0 : i32
    %dma_start3A_9 = arith.constant 0 : i32
    %dma_start3A_10 = tpu.memref_slice %arg13[%dma_start3A_9] : memref<512xf32, #tpu.memory_space<vmem>> -> memref<128xf32, #tpu.memory_space<vmem>>
    %dma_start3A_11 = arith.constant 0 : i32
    %dma_start3A_12 = tpu.memref_slice %arg10[%dma_start3A_8, %dma_start3A_11] : memref<4x128xi32, #tpu.memory_space<vmem>> -> memref<1x128xi32, #tpu.memory_space<vmem>>
    %dma_start3A_13 = tpu.memref_squeeze %dma_start3A_12 : memref<1x128xi32, #tpu.memory_space<vmem>> -> memref<128xi32, #tpu.memory_space<vmem>>
    %dma_start3A_14 = arith.constant 0 : i32
    %dma_start3A_15 = tpu.memref_slice %arg6[%dma_start3A_14] : memref<1048576xf32, #tpu.memory_space<hbm>> -> memref<1048576xf32, #tpu.memory_space<hbm>>
    tpu.enqueue_indirect_dma source(%dma_start3A_15 : memref<1048576xf32, #tpu.memory_space<hbm>>) target(%dma_start3A_10 : memref<128xf32, #tpu.memory_space<vmem>>) offsets(%dma_start3A_13 : memref<128xi32, #tpu.memory_space<vmem>>) semaphore(%arg16 : memref<!tpu.dma_semaphore, #tpu.memory_space<semaphore_mem>>)
    %dma_start3A_16 = arith.constant 0 : i32
    %dma_start3A_17 = arith.constant 0 : i32
    %dma_start3A_18 = tpu.memref_slice %arg14[%dma_start3A_17] : memref<512xf32, #tpu.memory_space<vmem>> -> memref<128xf32, #tpu.memory_space<vmem>>
    %dma_start3A_19 = arith.constant 0 : i32
    %dma_start3A_20 = tpu.memref_slice %arg11[%dma_start3A_16, %dma_start3A_19] : memref<4x128xi32, #tpu.memory_space<vmem>> -> memref<1x128xi32, #tpu.memory_space<vmem>>
    %dma_start3A_21 = tpu.memref_squeeze %dma_start3A_20 : memref<1x128xi32, #tpu.memory_space<vmem>> -> memref<128xi32, #tpu.memory_space<vmem>>
    %dma_start3A_22 = arith.constant 0 : i32
    %dma_start3A_23 = tpu.memref_slice %arg7[%dma_start3A_22] : memref<1048576xf32, #tpu.memory_space<hbm>> -> memref<1048576xf32, #tpu.memory_space<hbm>>
    tpu.enqueue_indirect_dma source(%dma_start3A_23 : memref<1048576xf32, #tpu.memory_space<hbm>>) target(%dma_start3A_18 : memref<128xf32, #tpu.memory_space<vmem>>) offsets(%dma_start3A_21 : memref<128xi32, #tpu.memory_space<vmem>>) semaphore(%arg16 : memref<!tpu.dma_semaphore, #tpu.memory_space<semaphore_mem>>)
    %dma_start3A_24 = arith.constant 1 : i32
    %dma_start3A_25 = arith.constant 128 : i32
    %dma_start3A_26 = tpu.memref_slice %arg12[%dma_start3A_25] : memref<512xf32, #tpu.memory_space<vmem>> -> memref<128xf32, #tpu.memory_space<vmem>>
    %dma_start3A_27 = arith.constant 0 : i32
    %dma_start3A_28 = tpu.memref_slice %arg9[%dma_start3A_24, %dma_start3A_27] : memref<4x128xi32, #tpu.memory_space<vmem>> -> memref<1x128xi32, #tpu.memory_space<vmem>>
    %dma_start3A_29 = tpu.memref_squeeze %dma_start3A_28 : memref<1x128xi32, #tpu.memory_space<vmem>> -> memref<128xi32, #tpu.memory_space<vmem>>
    %dma_start3A_30 = arith.constant 0 : i32
    %dma_start3A_31 = tpu.memref_slice %arg5[%dma_start3A_30] : memref<1048576xf32, #tpu.memory_space<hbm>> -> memref<1048576xf32, #tpu.memory_space<hbm>>
    tpu.enqueue_indirect_dma source(%dma_start3A_31 : memref<1048576xf32, #tpu.memory_space<hbm>>) target(%dma_start3A_26 : memref<128xf32, #tpu.memory_space<vmem>>) offsets(%dma_start3A_29 : memref<128xi32, #tpu.memory_space<vmem>>) semaphore(%arg16 : memref<!tpu.dma_semaphore, #tpu.memory_space<semaphore_mem>>)
    %dma_start3A_32 = arith.constant 1 : i32
    %dma_start3A_33 = arith.constant 128 : i32
    %dma_start3A_34 = tpu.memref_slice %arg13[%dma_start3A_33] : memref<512xf32, #tpu.memory_space<vmem>> -> memref<128xf32, #tpu.memory_space<vmem>>
    %dma_start3A_35 = arith.constant 0 : i32
    %dma_start3A_36 = tpu.memref_slice %arg10[%dma_start3A_32, %dma_start3A_35] : memref<4x128xi32, #tpu.memory_space<vmem>> -> memref<1x128xi32, #tpu.memory_space<vmem>>
    %dma_start3A_37 = tpu.memref_squeeze %dma_start3A_36 : memref<1x128xi32, #tpu.memory_space<vmem>> -> memref<128xi32, #tpu.memory_space<vmem>>
    %dma_start3A_38 = arith.constant 0 : i32
    %dma_start3A_39 = tpu.memref_slice %arg6[%dma_start3A_38] : memref<1048576xf32, #tpu.memory_space<hbm>> -> memref<1048576xf32, #tpu.memory_space<hbm>>
    tpu.enqueue_indirect_dma source(%dma_start3A_39 : memref<1048576xf32, #tpu.memory_space<hbm>>) target(%dma_start3A_34 : memref<128xf32, #tpu.memory_space<vmem>>) offsets(%dma_start3A_37 : memref<128xi32, #tpu.memory_space<vmem>>) semaphore(%arg16 : memref<!tpu.dma_semaphore, #tpu.memory_space<semaphore_mem>>)
    %dma_start3A_40 = arith.constant 1 : i32
    %dma_start3A_41 = arith.constant 128 : i32
    %dma_start3A_42 = tpu.memref_slice %arg14[%dma_start3A_41] : memref<512xf32, #tpu.memory_space<vmem>> -> memref<128xf32, #tpu.memory_space<vmem>>
    %dma_start3A_43 = arith.constant 0 : i32
    %dma_start3A_44 = tpu.memref_slice %arg11[%dma_start3A_40, %dma_start3A_43] : memref<4x128xi32, #tpu.memory_space<vmem>> -> memref<1x128xi32, #tpu.memory_space<vmem>>
    %dma_start3A_45 = tpu.memref_squeeze %dma_start3A_44 : memref<1x128xi32, #tpu.memory_space<vmem>> -> memref<128xi32, #tpu.memory_space<vmem>>
    %dma_start3A_46 = arith.constant 0 : i32
    %dma_start3A_47 = tpu.memref_slice %arg7[%dma_start3A_46] : memref<1048576xf32, #tpu.memory_space<hbm>> -> memref<1048576xf32, #tpu.memory_space<hbm>>
    tpu.enqueue_indirect_dma source(%dma_start3A_47 : memref<1048576xf32, #tpu.memory_space<hbm>>) target(%dma_start3A_42 : memref<128xf32, #tpu.memory_space<vmem>>) offsets(%dma_start3A_45 : memref<128xi32, #tpu.memory_space<vmem>>) semaphore(%arg16 : memref<!tpu.dma_semaphore, #tpu.memory_space<semaphore_mem>>)
    %dma_start3A_48 = arith.constant 2 : i32
    %dma_start3A_49 = arith.constant 256 : i32
    %dma_start3A_50 = tpu.memref_slice %arg12[%dma_start3A_49] : memref<512xf32, #tpu.memory_space<vmem>> -> memref<128xf32, #tpu.memory_space<vmem>>
    %dma_start3A_51 = arith.constant 0 : i32
    %dma_start3A_52 = tpu.memref_slice %arg9[%dma_start3A_48, %dma_start3A_51] : memref<4x128xi32, #tpu.memory_space<vmem>> -> memref<1x128xi32, #tpu.memory_space<vmem>>
    %dma_start3A_53 = tpu.memref_squeeze %dma_start3A_52 : memref<1x128xi32, #tpu.memory_space<vmem>> -> memref<128xi32, #tpu.memory_space<vmem>>
    %dma_start3A_54 = arith.constant 0 : i32
    %dma_start3A_55 = tpu.memref_slice %arg5[%dma_start3A_54] : memref<1048576xf32, #tpu.memory_space<hbm>> -> memref<1048576xf32, #tpu.memory_space<hbm>>
    tpu.enqueue_indirect_dma source(%dma_start3A_55 : memref<1048576xf32, #tpu.memory_space<hbm>>) target(%dma_start3A_50 : memref<128xf32, #tpu.memory_space<vmem>>) offsets(%dma_start3A_53 : memref<128xi32, #tpu.memory_space<vmem>>) semaphore(%arg16 : memref<!tpu.dma_semaphore, #tpu.memory_space<semaphore_mem>>)
    %dma_start3A_56 = arith.constant 2 : i32
    %dma_start3A_57 = arith.constant 256 : i32
    %dma_start3A_58 = tpu.memref_slice %arg13[%dma_start3A_57] : memref<512xf32, #tpu.memory_space<vmem>> -> memref<128xf32, #tpu.memory_space<vmem>>
    %dma_start3A_59 = arith.constant 0 : i32
    %dma_start3A_60 = tpu.memref_slice %arg10[%dma_start3A_56, %dma_start3A_59] : memref<4x128xi32, #tpu.memory_space<vmem>> -> memref<1x128xi32, #tpu.memory_space<vmem>>
    %dma_start3A_61 = tpu.memref_squeeze %dma_start3A_60 : memref<1x128xi32, #tpu.memory_space<vmem>> -> memref<128xi32, #tpu.memory_space<vmem>>
    %dma_start3A_62 = arith.constant 0 : i32
    %dma_start3A_63 = tpu.memref_slice %arg6[%dma_start3A_62] : memref<1048576xf32, #tpu.memory_space<hbm>> -> memref<1048576xf32, #tpu.memory_space<hbm>>
    tpu.enqueue_indirect_dma source(%dma_start3A_63 : memref<1048576xf32, #tpu.memory_space<hbm>>) target(%dma_start3A_58 : memref<128xf32, #tpu.memory_space<vmem>>) offsets(%dma_start3A_61 : memref<128xi32, #tpu.memory_space<vmem>>) semaphore(%arg16 : memref<!tpu.dma_semaphore, #tpu.memory_space<semaphore_mem>>)
    %dma_start3A_64 = arith.constant 2 : i32
    %dma_start3A_65 = arith.constant 256 : i32
    %dma_start3A_66 = tpu.memref_slice %arg14[%dma_start3A_65] : memref<512xf32, #tpu.memory_space<vmem>> -> memref<128xf32, #tpu.memory_space<vmem>>
    %dma_start3A_67 = arith.constant 0 : i32
    %dma_start3A_68 = tpu.memref_slice %arg11[%dma_start3A_64, %dma_start3A_67] : memref<4x128xi32, #tpu.memory_space<vmem>> -> memref<1x128xi32, #tpu.memory_space<vmem>>
    %dma_start3A_69 = tpu.memref_squeeze %dma_start3A_68 : memref<1x128xi32, #tpu.memory_space<vmem>> -> memref<128xi32, #tpu.memory_space<vmem>>
    %dma_start3A_70 = arith.constant 0 : i32
    %dma_start3A_71 = tpu.memref_slice %arg7[%dma_start3A_70] : memref<1048576xf32, #tpu.memory_space<hbm>> -> memref<1048576xf32, #tpu.memory_space<hbm>>
    tpu.enqueue_indirect_dma source(%dma_start3A_71 : memref<1048576xf32, #tpu.memory_space<hbm>>) target(%dma_start3A_66 : memref<128xf32, #tpu.memory_space<vmem>>) offsets(%dma_start3A_69 : memref<128xi32, #tpu.memory_space<vmem>>) semaphore(%arg16 : memref<!tpu.dma_semaphore, #tpu.memory_space<semaphore_mem>>)
    %dma_start3A_72 = arith.constant 3 : i32
    %dma_start3A_73 = arith.constant 384 : i32
    %dma_start3A_74 = tpu.memref_slice %arg12[%dma_start3A_73] : memref<512xf32, #tpu.memory_space<vmem>> -> memref<128xf32, #tpu.memory_space<vmem>>
    %dma_start3A_75 = arith.constant 0 : i32
    %dma_start3A_76 = tpu.memref_slice %arg9[%dma_start3A_72, %dma_start3A_75] : memref<4x128xi32, #tpu.memory_space<vmem>> -> memref<1x128xi32, #tpu.memory_space<vmem>>
    %dma_start3A_77 = tpu.memref_squeeze %dma_start3A_76 : memref<1x128xi32, #tpu.memory_space<vmem>> -> memref<128xi32, #tpu.memory_space<vmem>>
    %dma_start3A_78 = arith.constant 0 : i32
    %dma_start3A_79 = tpu.memref_slice %arg5[%dma_start3A_78] : memref<1048576xf32, #tpu.memory_space<hbm>> -> memref<1048576xf32, #tpu.memory_space<hbm>>
    tpu.enqueue_indirect_dma source(%dma_start3A_79 : memref<1048576xf32, #tpu.memory_space<hbm>>) target(%dma_start3A_74 : memref<128xf32, #tpu.memory_space<vmem>>) offsets(%dma_start3A_77 : memref<128xi32, #tpu.memory_space<vmem>>) semaphore(%arg16 : memref<!tpu.dma_semaphore, #tpu.memory_space<semaphore_mem>>)
    %dma_start3A_80 = arith.constant 3 : i32
    %dma_start3A_81 = arith.constant 384 : i32
    %dma_start3A_82 = tpu.memref_slice %arg13[%dma_start3A_81] : memref<512xf32, #tpu.memory_space<vmem>> -> memref<128xf32, #tpu.memory_space<vmem>>
    %dma_start3A_83 = arith.constant 0 : i32
    %dma_start3A_84 = tpu.memref_slice %arg10[%dma_start3A_80, %dma_start3A_83] : memref<4x128xi32, #tpu.memory_space<vmem>> -> memref<1x128xi32, #tpu.memory_space<vmem>>
    %dma_start3A_85 = tpu.memref_squeeze %dma_start3A_84 : memref<1x128xi32, #tpu.memory_space<vmem>> -> memref<128xi32, #tpu.memory_space<vmem>>
    %dma_start3A_86 = arith.constant 0 : i32
    %dma_start3A_87 = tpu.memref_slice %arg6[%dma_start3A_86] : memref<1048576xf32, #tpu.memory_space<hbm>> -> memref<1048576xf32, #tpu.memory_space<hbm>>
    tpu.enqueue_indirect_dma source(%dma_start3A_87 : memref<1048576xf32, #tpu.memory_space<hbm>>) target(%dma_start3A_82 : memref<128xf32, #tpu.memory_space<vmem>>) offsets(%dma_start3A_85 : memref<128xi32, #tpu.memory_space<vmem>>) semaphore(%arg16 : memref<!tpu.dma_semaphore, #tpu.memory_space<semaphore_mem>>)
    %dma_start3A_88 = arith.constant 3 : i32
    %dma_start3A_89 = arith.constant 384 : i32
    %dma_start3A_90 = tpu.memref_slice %arg14[%dma_start3A_89] : memref<512xf32, #tpu.memory_space<vmem>> -> memref<128xf32, #tpu.memory_space<vmem>>
    %dma_start3A_91 = arith.constant 0 : i32
    %dma_start3A_92 = tpu.memref_slice %arg11[%dma_start3A_88, %dma_start3A_91] : memref<4x128xi32, #tpu.memory_space<vmem>> -> memref<1x128xi32, #tpu.memory_space<vmem>>
    %dma_start3A_93 = tpu.memref_squeeze %dma_start3A_92 : memref<1x128xi32, #tpu.memory_space<vmem>> -> memref<128xi32, #tpu.memory_space<vmem>>
    %dma_start3A_94 = arith.constant 0 : i32
    %dma_start3A_95 = tpu.memref_slice %arg7[%dma_start3A_94] : memref<1048576xf32, #tpu.memory_space<hbm>> -> memref<1048576xf32, #tpu.memory_space<hbm>>
    tpu.enqueue_indirect_dma source(%dma_start3A_95 : memref<1048576xf32, #tpu.memory_space<hbm>>) target(%dma_start3A_90 : memref<128xf32, #tpu.memory_space<vmem>>) offsets(%dma_start3A_93 : memref<128xi32, #tpu.memory_space<vmem>>) semaphore(%arg16 : memref<!tpu.dma_semaphore, #tpu.memory_space<semaphore_mem>>)
    %dma_wait3A = arith.constant 0 : i32
    %dma_wait3A_96 = arith.constant 0 : i32
    %dma_wait3A_97 = tpu.memref_slice %arg12[%dma_wait3A_96] : memref<512xf32, #tpu.memory_space<vmem>> -> memref<128xf32, #tpu.memory_space<vmem>>
    %dma_wait3A_98 = arith.constant 0 : i32
    %dma_wait3A_99 = tpu.memref_slice %arg9[%dma_wait3A, %dma_wait3A_98] : memref<4x128xi32, #tpu.memory_space<vmem>> -> memref<1x128xi32, #tpu.memory_space<vmem>>
    %dma_wait3A_100 = tpu.memref_squeeze %dma_wait3A_99 : memref<1x128xi32, #tpu.memory_space<vmem>> -> memref<128xi32, #tpu.memory_space<vmem>>
    %dma_wait3A_101 = arith.constant 0 : i32
    %dma_wait3A_102 = tpu.memref_slice %arg5[%dma_wait3A_101] : memref<1048576xf32, #tpu.memory_space<hbm>> -> memref<1048576xf32, #tpu.memory_space<hbm>>
    tpu.wait_indirect_dma semaphore(%arg16 : memref<!tpu.dma_semaphore, #tpu.memory_space<semaphore_mem>>) src(%dma_wait3A_102 : memref<1048576xf32, #tpu.memory_space<hbm>>) dst(%dma_wait3A_97 : memref<128xf32, #tpu.memory_space<vmem>>)
    %dma_wait3A_103 = arith.constant 0 : i32
    %dma_wait3A_104 = arith.constant 0 : i32
    %dma_wait3A_105 = tpu.memref_slice %arg13[%dma_wait3A_104] : memref<512xf32, #tpu.memory_space<vmem>> -> memref<128xf32, #tpu.memory_space<vmem>>
    %dma_wait3A_106 = arith.constant 0 : i32
    %dma_wait3A_107 = tpu.memref_slice %arg10[%dma_wait3A_103, %dma_wait3A_106] : memref<4x128xi32, #tpu.memory_space<vmem>> -> memref<1x128xi32, #tpu.memory_space<vmem>>
    %dma_wait3A_108 = tpu.memref_squeeze %dma_wait3A_107 : memref<1x128xi32, #tpu.memory_space<vmem>> -> memref<128xi32, #tpu.memory_space<vmem>>
    %dma_wait3A_109 = arith.constant 0 : i32
    %dma_wait3A_110 = tpu.memref_slice %arg6[%dma_wait3A_109] : memref<1048576xf32, #tpu.memory_space<hbm>> -> memref<1048576xf32, #tpu.memory_space<hbm>>
    tpu.wait_indirect_dma semaphore(%arg16 : memref<!tpu.dma_semaphore, #tpu.memory_space<semaphore_mem>>) src(%dma_wait3A_110 : memref<1048576xf32, #tpu.memory_space<hbm>>) dst(%dma_wait3A_105 : memref<128xf32, #tpu.memory_space<vmem>>)
    %dma_wait3A_111 = arith.constant 0 : i32
    %dma_wait3A_112 = arith.constant 0 : i32
    %dma_wait3A_113 = tpu.memref_slice %arg14[%dma_wait3A_112] : memref<512xf32, #tpu.memory_space<vmem>> -> memref<128xf32, #tpu.memory_space<vmem>>
    %dma_wait3A_114 = arith.constant 0 : i32
    %dma_wait3A_115 = tpu.memref_slice %arg11[%dma_wait3A_111, %dma_wait3A_114] : memref<4x128xi32, #tpu.memory_space<vmem>> -> memref<1x128xi32, #tpu.memory_space<vmem>>
    %dma_wait3A_116 = tpu.memref_squeeze %dma_wait3A_115 : memref<1x128xi32, #tpu.memory_space<vmem>> -> memref<128xi32, #tpu.memory_space<vmem>>
    %dma_wait3A_117 = arith.constant 0 : i32
    %dma_wait3A_118 = tpu.memref_slice %arg7[%dma_wait3A_117] : memref<1048576xf32, #tpu.memory_space<hbm>> -> memref<1048576xf32, #tpu.memory_space<hbm>>
    tpu.wait_indirect_dma semaphore(%arg16 : memref<!tpu.dma_semaphore, #tpu.memory_space<semaphore_mem>>) src(%dma_wait3A_118 : memref<1048576xf32, #tpu.memory_space<hbm>>) dst(%dma_wait3A_113 : memref<128xf32, #tpu.memory_space<vmem>>)
    %dma_wait3A_119 = arith.constant 1 : i32
    %dma_wait3A_120 = arith.constant 128 : i32
    %dma_wait3A_121 = tpu.memref_slice %arg12[%dma_wait3A_120] : memref<512xf32, #tpu.memory_space<vmem>> -> memref<128xf32, #tpu.memory_space<vmem>>
    %dma_wait3A_122 = arith.constant 0 : i32
    %dma_wait3A_123 = tpu.memref_slice %arg9[%dma_wait3A_119, %dma_wait3A_122] : memref<4x128xi32, #tpu.memory_space<vmem>> -> memref<1x128xi32, #tpu.memory_space<vmem>>
    %dma_wait3A_124 = tpu.memref_squeeze %dma_wait3A_123 : memref<1x128xi32, #tpu.memory_space<vmem>> -> memref<128xi32, #tpu.memory_space<vmem>>
    %dma_wait3A_125 = arith.constant 0 : i32
    %dma_wait3A_126 = tpu.memref_slice %arg5[%dma_wait3A_125] : memref<1048576xf32, #tpu.memory_space<hbm>> -> memref<1048576xf32, #tpu.memory_space<hbm>>
    tpu.wait_indirect_dma semaphore(%arg16 : memref<!tpu.dma_semaphore, #tpu.memory_space<semaphore_mem>>) src(%dma_wait3A_126 : memref<1048576xf32, #tpu.memory_space<hbm>>) dst(%dma_wait3A_121 : memref<128xf32, #tpu.memory_space<vmem>>)
    %dma_wait3A_127 = arith.constant 1 : i32
    %dma_wait3A_128 = arith.constant 128 : i32
    %dma_wait3A_129 = tpu.memref_slice %arg13[%dma_wait3A_128] : memref<512xf32, #tpu.memory_space<vmem>> -> memref<128xf32, #tpu.memory_space<vmem>>
    %dma_wait3A_130 = arith.constant 0 : i32
    %dma_wait3A_131 = tpu.memref_slice %arg10[%dma_wait3A_127, %dma_wait3A_130] : memref<4x128xi32, #tpu.memory_space<vmem>> -> memref<1x128xi32, #tpu.memory_space<vmem>>
    %dma_wait3A_132 = tpu.memref_squeeze %dma_wait3A_131 : memref<1x128xi32, #tpu.memory_space<vmem>> -> memref<128xi32, #tpu.memory_space<vmem>>
    %dma_wait3A_133 = arith.constant 0 : i32
    %dma_wait3A_134 = tpu.memref_slice %arg6[%dma_wait3A_133] : memref<1048576xf32, #tpu.memory_space<hbm>> -> memref<1048576xf32, #tpu.memory_space<hbm>>
    tpu.wait_indirect_dma semaphore(%arg16 : memref<!tpu.dma_semaphore, #tpu.memory_space<semaphore_mem>>) src(%dma_wait3A_134 : memref<1048576xf32, #tpu.memory_space<hbm>>) dst(%dma_wait3A_129 : memref<128xf32, #tpu.memory_space<vmem>>)
    %dma_wait3A_135 = arith.constant 1 : i32
    %dma_wait3A_136 = arith.constant 128 : i32
    %dma_wait3A_137 = tpu.memref_slice %arg14[%dma_wait3A_136] : memref<512xf32, #tpu.memory_space<vmem>> -> memref<128xf32, #tpu.memory_space<vmem>>
    %dma_wait3A_138 = arith.constant 0 : i32
    %dma_wait3A_139 = tpu.memref_slice %arg11[%dma_wait3A_135, %dma_wait3A_138] : memref<4x128xi32, #tpu.memory_space<vmem>> -> memref<1x128xi32, #tpu.memory_space<vmem>>
    %dma_wait3A_140 = tpu.memref_squeeze %dma_wait3A_139 : memref<1x128xi32, #tpu.memory_space<vmem>> -> memref<128xi32, #tpu.memory_space<vmem>>
    %dma_wait3A_141 = arith.constant 0 : i32
    %dma_wait3A_142 = tpu.memref_slice %arg7[%dma_wait3A_141] : memref<1048576xf32, #tpu.memory_space<hbm>> -> memref<1048576xf32, #tpu.memory_space<hbm>>
    tpu.wait_indirect_dma semaphore(%arg16 : memref<!tpu.dma_semaphore, #tpu.memory_space<semaphore_mem>>) src(%dma_wait3A_142 : memref<1048576xf32, #tpu.memory_space<hbm>>) dst(%dma_wait3A_137 : memref<128xf32, #tpu.memory_space<vmem>>)
    %dma_wait3A_143 = arith.constant 2 : i32
    %dma_wait3A_144 = arith.constant 256 : i32
    %dma_wait3A_145 = tpu.memref_slice %arg12[%dma_wait3A_144] : memref<512xf32, #tpu.memory_space<vmem>> -> memref<128xf32, #tpu.memory_space<vmem>>
    %dma_wait3A_146 = arith.constant 0 : i32
    %dma_wait3A_147 = tpu.memref_slice %arg9[%dma_wait3A_143, %dma_wait3A_146] : memref<4x128xi32, #tpu.memory_space<vmem>> -> memref<1x128xi32, #tpu.memory_space<vmem>>
    %dma_wait3A_148 = tpu.memref_squeeze %dma_wait3A_147 : memref<1x128xi32, #tpu.memory_space<vmem>> -> memref<128xi32, #tpu.memory_space<vmem>>
    %dma_wait3A_149 = arith.constant 0 : i32
    %dma_wait3A_150 = tpu.memref_slice %arg5[%dma_wait3A_149] : memref<1048576xf32, #tpu.memory_space<hbm>> -> memref<1048576xf32, #tpu.memory_space<hbm>>
    tpu.wait_indirect_dma semaphore(%arg16 : memref<!tpu.dma_semaphore, #tpu.memory_space<semaphore_mem>>) src(%dma_wait3A_150 : memref<1048576xf32, #tpu.memory_space<hbm>>) dst(%dma_wait3A_145 : memref<128xf32, #tpu.memory_space<vmem>>)
    %dma_wait3A_151 = arith.constant 2 : i32
    %dma_wait3A_152 = arith.constant 256 : i32
    %dma_wait3A_153 = tpu.memref_slice %arg13[%dma_wait3A_152] : memref<512xf32, #tpu.memory_space<vmem>> -> memref<128xf32, #tpu.memory_space<vmem>>
    %dma_wait3A_154 = arith.constant 0 : i32
    %dma_wait3A_155 = tpu.memref_slice %arg10[%dma_wait3A_151, %dma_wait3A_154] : memref<4x128xi32, #tpu.memory_space<vmem>> -> memref<1x128xi32, #tpu.memory_space<vmem>>
    %dma_wait3A_156 = tpu.memref_squeeze %dma_wait3A_155 : memref<1x128xi32, #tpu.memory_space<vmem>> -> memref<128xi32, #tpu.memory_space<vmem>>
    %dma_wait3A_157 = arith.constant 0 : i32
    %dma_wait3A_158 = tpu.memref_slice %arg6[%dma_wait3A_157] : memref<1048576xf32, #tpu.memory_space<hbm>> -> memref<1048576xf32, #tpu.memory_space<hbm>>
    tpu.wait_indirect_dma semaphore(%arg16 : memref<!tpu.dma_semaphore, #tpu.memory_space<semaphore_mem>>) src(%dma_wait3A_158 : memref<1048576xf32, #tpu.memory_space<hbm>>) dst(%dma_wait3A_153 : memref<128xf32, #tpu.memory_space<vmem>>)
    %dma_wait3A_159 = arith.constant 2 : i32
    %dma_wait3A_160 = arith.constant 256 : i32
    %dma_wait3A_161 = tpu.memref_slice %arg14[%dma_wait3A_160] : memref<512xf32, #tpu.memory_space<vmem>> -> memref<128xf32, #tpu.memory_space<vmem>>
    %dma_wait3A_162 = arith.constant 0 : i32
    %dma_wait3A_163 = tpu.memref_slice %arg11[%dma_wait3A_159, %dma_wait3A_162] : memref<4x128xi32, #tpu.memory_space<vmem>> -> memref<1x128xi32, #tpu.memory_space<vmem>>
    %dma_wait3A_164 = tpu.memref_squeeze %dma_wait3A_163 : memref<1x128xi32, #tpu.memory_space<vmem>> -> memref<128xi32, #tpu.memory_space<vmem>>
    %dma_wait3A_165 = arith.constant 0 : i32
    %dma_wait3A_166 = tpu.memref_slice %arg7[%dma_wait3A_165] : memref<1048576xf32, #tpu.memory_space<hbm>> -> memref<1048576xf32, #tpu.memory_space<hbm>>
    tpu.wait_indirect_dma semaphore(%arg16 : memref<!tpu.dma_semaphore, #tpu.memory_space<semaphore_mem>>) src(%dma_wait3A_166 : memref<1048576xf32, #tpu.memory_space<hbm>>) dst(%dma_wait3A_161 : memref<128xf32, #tpu.memory_space<vmem>>)
    %dma_wait3A_167 = arith.constant 3 : i32
    %dma_wait3A_168 = arith.constant 384 : i32
    %dma_wait3A_169 = tpu.memref_slice %arg12[%dma_wait3A_168] : memref<512xf32, #tpu.memory_space<vmem>> -> memref<128xf32, #tpu.memory_space<vmem>>
    %dma_wait3A_170 = arith.constant 0 : i32
    %dma_wait3A_171 = tpu.memref_slice %arg9[%dma_wait3A_167, %dma_wait3A_170] : memref<4x128xi32, #tpu.memory_space<vmem>> -> memref<1x128xi32, #tpu.memory_space<vmem>>
    %dma_wait3A_172 = tpu.memref_squeeze %dma_wait3A_171 : memref<1x128xi32, #tpu.memory_space<vmem>> -> memref<128xi32, #tpu.memory_space<vmem>>
    %dma_wait3A_173 = arith.constant 0 : i32
    %dma_wait3A_174 = tpu.memref_slice %arg5[%dma_wait3A_173] : memref<1048576xf32, #tpu.memory_space<hbm>> -> memref<1048576xf32, #tpu.memory_space<hbm>>
    tpu.wait_indirect_dma semaphore(%arg16 : memref<!tpu.dma_semaphore, #tpu.memory_space<semaphore_mem>>) src(%dma_wait3A_174 : memref<1048576xf32, #tpu.memory_space<hbm>>) dst(%dma_wait3A_169 : memref<128xf32, #tpu.memory_space<vmem>>)
    %dma_wait3A_175 = arith.constant 3 : i32
    %dma_wait3A_176 = arith.constant 384 : i32
    %dma_wait3A_177 = tpu.memref_slice %arg13[%dma_wait3A_176] : memref<512xf32, #tpu.memory_space<vmem>> -> memref<128xf32, #tpu.memory_space<vmem>>
    %dma_wait3A_178 = arith.constant 0 : i32
    %dma_wait3A_179 = tpu.memref_slice %arg10[%dma_wait3A_175, %dma_wait3A_178] : memref<4x128xi32, #tpu.memory_space<vmem>> -> memref<1x128xi32, #tpu.memory_space<vmem>>
    %dma_wait3A_180 = tpu.memref_squeeze %dma_wait3A_179 : memref<1x128xi32, #tpu.memory_space<vmem>> -> memref<128xi32, #tpu.memory_space<vmem>>
    %dma_wait3A_181 = arith.constant 0 : i32
    %dma_wait3A_182 = tpu.memref_slice %arg6[%dma_wait3A_181] : memref<1048576xf32, #tpu.memory_space<hbm>> -> memref<1048576xf32, #tpu.memory_space<hbm>>
    tpu.wait_indirect_dma semaphore(%arg16 : memref<!tpu.dma_semaphore, #tpu.memory_space<semaphore_mem>>) src(%dma_wait3A_182 : memref<1048576xf32, #tpu.memory_space<hbm>>) dst(%dma_wait3A_177 : memref<128xf32, #tpu.memory_space<vmem>>)
    %dma_wait3A_183 = arith.constant 3 : i32
    %dma_wait3A_184 = arith.constant 384 : i32
    %dma_wait3A_185 = tpu.memref_slice %arg14[%dma_wait3A_184] : memref<512xf32, #tpu.memory_space<vmem>> -> memref<128xf32, #tpu.memory_space<vmem>>
    %dma_wait3A_186 = arith.constant 0 : i32
    %dma_wait3A_187 = tpu.memref_slice %arg11[%dma_wait3A_183, %dma_wait3A_186] : memref<4x128xi32, #tpu.memory_space<vmem>> -> memref<1x128xi32, #tpu.memory_space<vmem>>
    %dma_wait3A_188 = tpu.memref_squeeze %dma_wait3A_187 : memref<1x128xi32, #tpu.memory_space<vmem>> -> memref<128xi32, #tpu.memory_space<vmem>>
    %dma_wait3A_189 = arith.constant 0 : i32
    %dma_wait3A_190 = tpu.memref_slice %arg7[%dma_wait3A_189] : memref<1048576xf32, #tpu.memory_space<hbm>> -> memref<1048576xf32, #tpu.memory_space<hbm>>
    tpu.wait_indirect_dma semaphore(%arg16 : memref<!tpu.dma_semaphore, #tpu.memory_space<semaphore_mem>>) src(%dma_wait3A_190 : memref<1048576xf32, #tpu.memory_space<hbm>>) dst(%dma_wait3A_185 : memref<128xf32, #tpu.memory_space<vmem>>)
    %scan3A = arith.constant 0 : i32
    %scan3A_191 = arith.constant 0 : i32
    %scan3A_192 = arith.constant 32 : i32
    %scan3A_193 = arith.addi %scan3A_191, %scan3A_192 : i32
    %scan3A_194 = arith.constant 1 : i32
    scf.for %scan3A_196 = %scan3A_191 to %scan3A_193 step %scan3A_194  : i32 {
      %mul3A_197 = arith.constant 16 : i32
      %mul3A_198 = arith.muli %scan3A_196, %mul3A_197 : i32
      %get3A = arith.index_cast %mul3A_198 : i32 to index
      %get3A_199 = tpu.vector_load %arg12[%get3A] {strides = array<i32>} : memref<512xf32, #tpu.memory_space<vmem>>, vector<16xf32>,
      %get3A_200 = arith.index_cast %mul3A_198 : i32 to index
      %get3A_201 = tpu.vector_load %arg13[%get3A_200] {strides = array<i32>} : memref<512xf32, #tpu.memory_space<vmem>>, vector<16xf32>,
      %add3A_202 = arith.addf %get3A_199, %get3A_201 : vector<16xf32>
      %get3A_203 = arith.index_cast %mul3A_198 : i32 to index
      %get3A_204 = tpu.vector_load %arg14[%get3A_203] {strides = array<i32>} : memref<512xf32, #tpu.memory_space<vmem>>, vector<16xf32>,
      %add3A_205 = arith.addf %add3A_202, %get3A_204 : vector<16xf32>
      %swap3A = arith.index_cast %mul3A_198 : i32 to index
      %swap3A_206 = tpu.vector_load %arg15[%swap3A] {strides = array<i32>} : memref<512xf32, #tpu.memory_space<vmem>>, vector<16xf32>,
      tpu.vector_store %arg15[%swap3A], %add3A_205 {strides = array<i32>} : memref<512xf32, #tpu.memory_space<vmem>>, vector<16xf32>,
    }
    %scan3A_195 = arith.constant 32 : i32
    "tpu.region"() ({
      %run_scoped3A = tpu.sem_alloc : memref<!tpu.dma_semaphore, #tpu.memory_space<semaphore_mem>>
      %dma_start3A_196 = arith.constant 0 : i32
      %dma_start3A_197 = tpu.memref_slice %arg8[%add3A, %dma_start3A_196] : memref<32x512xf32, #tpu.memory_space<hbm>> -> memref<1x512xf32, #tpu.memory_space<hbm>>
      %dma_start3A_198 = tpu.memref_squeeze %dma_start3A_197 : memref<1x512xf32, #tpu.memory_space<hbm>> -> memref<512xf32, #tpu.memory_space<hbm>>
      %dma_start3A_199 = arith.constant 0 : i32
      %dma_start3A_200 = tpu.memref_slice %arg8[%add3A, %dma_start3A_199] : memref<32x512xf32, #tpu.memory_space<hbm>> -> memref<1x512xf32, #tpu.memory_space<hbm>>
      %dma_start3A_201 = tpu.memref_squeeze %dma_start3A_200 : memref<1x512xf32, #tpu.memory_space<hbm>> -> memref<512xf32, #tpu.memory_space<hbm>>
      tpu.enqueue_dma source(%arg15 : memref<512xf32, #tpu.memory_space<vmem>>) target(%dma_start3A_201 : memref<512xf32, #tpu.memory_space<hbm>>) target_semaphore(%run_scoped3A : memref<!tpu.dma_semaphore, #tpu.memory_space<semaphore_mem>>)
      %dma_wait3A_202 = arith.constant 0 : i32
      %dma_wait3A_203 = tpu.memref_slice %arg8[%add3A, %dma_wait3A_202] : memref<32x512xf32, #tpu.memory_space<hbm>> -> memref<1x512xf32, #tpu.memory_space<hbm>>
      %dma_wait3A_204 = tpu.memref_squeeze %dma_wait3A_203 : memref<1x512xf32, #tpu.memory_space<hbm>> -> memref<512xf32, #tpu.memory_space<hbm>>
      %dma_wait3A_205 = arith.constant 0 : i32
      %dma_wait3A_206 = tpu.memref_slice %arg8[%add3A, %dma_wait3A_205] : memref<32x512xf32, #tpu.memory_space<hbm>> -> memref<1x512xf32, #tpu.memory_space<hbm>>
      %dma_wait3A_207 = tpu.memref_squeeze %dma_wait3A_206 : memref<1x512xf32, #tpu.memory_space<hbm>> -> memref<512xf32, #tpu.memory_space<hbm>>
      tpu.wait_dma2 semaphore(%run_scoped3A : memref<!tpu.dma_semaphore, #tpu.memory_space<semaphore_mem>>) src(%arg15 : memref<512xf32, #tpu.memory_space<vmem>>) dst(%dma_wait3A_207 : memref<512xf32, #tpu.memory_space<hbm>>)
      tpu.yield
    }) : () -> ()
    return
  }
}

module attributes {stable_mosaic.version = 14 : i64} {
  func.func @_proj_body(%arg0: i32, %arg1: memref<16x65536xf32, #tpu.memory_space<vmem>>, %arg2: memref<16x65536xf32, #tpu.memory_space<vmem>>, %arg3: memref<3x16xf32, #tpu.memory_space<vmem>>, %arg4: memref<1x1xf32, #tpu.memory_space<smem>>, %arg5: memref<65536xf32, #tpu.memory_space<vmem>>, %arg6: memref<65536xf32, #tpu.memory_space<vmem>>, %arg7: memref<65536xf32, #tpu.memory_space<vmem>>) attributes {dimension_semantics = [#tpu.dimension_semantics<arbitrary>], iteration_bounds = array<i64: 16>, scalar_prefetch = 0 : i64, scratch_operands = 0 : i64, tpu.core_type = #tpu.core_type<tc>, window_params = [{transform_indices = @transform_0, window_bounds = array<i64: 16, 65536>}, {transform_indices = @transform_1, window_bounds = array<i64: 16, 65536>}, {pipeline_mode = #tpu.pipeline_mode<synchronous>, transform_indices = @transform_2, window_bounds = array<i64: 3, 16>}, {transform_indices = @transform_3, window_bounds = array<i64: 1, 1>}, {transform_indices = @transform_4, window_bounds = array<i64: 65536>}, {transform_indices = @transform_5, window_bounds = array<i64: 65536>}, {transform_indices = @transform_6, window_bounds = array<i64: 65536>}]} {
    %get3A = arith.constant 0 : index
    %get3A_0 = arith.constant 0 : index
    %get3A_1 = vector.load %arg1[%get3A, %get3A_0] : memref<16x65536xf32, #tpu.memory_space<vmem>>, vector<16x65536xf32>
    %get3A_2 = arith.constant 0 : index
    %get3A_3 = arith.constant 0 : index
    %get3A_4 = vector.load %arg2[%get3A_2, %get3A_3] : memref<16x65536xf32, #tpu.memory_space<vmem>>, vector<16x65536xf32>
    %get3A_5 = arith.constant 0 : index
    %get3A_6 = arith.constant 0 : index
    %get3A_7 = vector.load %arg3[%get3A_5, %get3A_6] : memref<3x16xf32, #tpu.memory_space<vmem>>, vector<3x16xf32>
    %slice3A = vector.extract_strided_slice %get3A_7 {offsets = [0, 0], sizes = [2, 16], strides = [1, 1]} : vector<3x16xf32> to vector<2x16xf32>
    %dot_general3A = arith.constant dense<0.000000e+00> : vector<2x65536xf32>
    %dot_general3A_8 = tpu.matmul %slice3A, %get3A_1, %dot_general3A {dimension_numbers = #tpu.dot_dimension_numbers<[1], [0], [0], [1], [0, 0, 1, 1], [], []>, transpose_lhs_hint = false} : vector<2x16xf32>, vector<16x65536xf32>, vector<2x65536xf32> -> vector<2x65536xf32>
    %slice3A_9 = vector.extract_strided_slice %get3A_7 {offsets = [2, 0], sizes = [1, 16], strides = [1, 1]} : vector<3x16xf32> to vector<1x16xf32>
    %dot_general3A_10 = arith.constant dense<0.000000e+00> : vector<1x65536xf32>
    %dot_general3A_11 = tpu.matmul %slice3A_9, %get3A_4, %dot_general3A_10 {dimension_numbers = #tpu.dot_dimension_numbers<[1], [0], [0], [1], [0, 0, 1, 1], [], []>, transpose_lhs_hint = false} : vector<1x16xf32>, vector<16x65536xf32>, vector<1x65536xf32> -> vector<1x65536xf32>
    %slice3A_12 = vector.extract_strided_slice %dot_general3A_8 {offsets = [0, 0], sizes = [1, 65536], strides = [1, 1]} : vector<2x65536xf32> to vector<1x65536xf32>
    %squeeze3A = vector.shape_cast %slice3A_12 : vector<1x65536xf32> to vector<65536xf32>
    %swap3A = arith.constant 0 : index
    %swap3A_13 = vector.load %arg5[%swap3A] : memref<65536xf32, #tpu.memory_space<vmem>>, vector<65536xf32>
    tpu.vector_store %arg5[%swap3A], %squeeze3A {strides = array<i32>} : memref<65536xf32, #tpu.memory_space<vmem>>, vector<65536xf32>,
    %slice3A_14 = vector.extract_strided_slice %dot_general3A_8 {offsets = [1, 0], sizes = [1, 65536], strides = [1, 1]} : vector<2x65536xf32> to vector<1x65536xf32>
    %squeeze3A_15 = vector.shape_cast %slice3A_14 : vector<1x65536xf32> to vector<65536xf32>
    %swap3A_16 = arith.constant 0 : index
    %swap3A_17 = vector.load %arg6[%swap3A_16] : memref<65536xf32, #tpu.memory_space<vmem>>, vector<65536xf32>
    tpu.vector_store %arg6[%swap3A_16], %squeeze3A_15 {strides = array<i32>} : memref<65536xf32, #tpu.memory_space<vmem>>, vector<65536xf32>,
    %squeeze3A_18 = vector.shape_cast %dot_general3A_11 : vector<1x65536xf32> to vector<65536xf32>
    %get3A_19 = arith.constant 0 : index
    %get3A_20 = arith.constant 0 : index
    %get3A_21 = memref.load %arg4[%get3A_19, %get3A_20] : memref<1x1xf32, #tpu.memory_space<smem>>
    %add3A = vector.broadcast %get3A_21 : f32 to vector<65536xf32>
    %add3A_22 = arith.addf %squeeze3A_18, %add3A : vector<65536xf32>
    %swap3A_23 = arith.constant 0 : index
    %swap3A_24 = vector.load %arg7[%swap3A_23] : memref<65536xf32, #tpu.memory_space<vmem>>, vector<65536xf32>
    tpu.vector_store %arg7[%swap3A_23], %add3A_22 {strides = array<i32>} : memref<65536xf32, #tpu.memory_space<vmem>>, vector<65536xf32>,
    return
  }
  func.func @transform_0(%arg0: i32) -> (i32, i32) {
    %c0_i32 = arith.constant 0 : i32
    %c0_i32_0 = arith.constant 0 : i32
    return %c0_i32, %arg0 : i32, i32
  }
  func.func @transform_1(%arg0: i32) -> (i32, i32) {
    %c0_i32 = arith.constant 0 : i32
    %c0_i32_0 = arith.constant 0 : i32
    return %c0_i32, %arg0 : i32, i32
  }
  func.func @transform_2(%arg0: i32) -> (i32, i32) {
    %c0_i32 = arith.constant 0 : i32
    %c0_i32_0 = arith.constant 0 : i32
    %c0_i32_1 = arith.constant 0 : i32
    return %c0_i32, %c0_i32_0 : i32, i32
  }
  func.func @transform_3(%arg0: i32) -> (i32, i32) {
    %c0_i32 = arith.constant 0 : i32
    %c0_i32_0 = arith.constant 0 : i32
    %c0_i32_1 = arith.constant 0 : i32
    return %c0_i32, %c0_i32_0 : i32, i32
  }
  func.func @transform_4(%arg0: i32) -> i32 {
    %c0_i32 = arith.constant 0 : i32
    return %arg0 : i32
  }
  func.func @transform_5(%arg0: i32) -> i32 {
    %c0_i32 = arith.constant 0 : i32
    return %arg0 : i32
  }
  func.func @transform_6(%arg0: i32) -> i32 {
    %c0_i32 = arith.constant 0 : i32
    return %arg0 : i32
  }
}

</mosaic_0001>

<sc_bundles>
// kernel: kernel.4.cloned.1.call-start
scs
__scs_entry_jumppad:
0x0: {  	(pc) =	sbr.rel $0x88, $3  }
0x1: {  	(tag) =	ssettag $0x0;
	lr =	simm.s32 $0x1  }
0x2: {  	[smem:$0x3F9A] =	sst lr;
	_ =	strace $0xD0000000  }
0x3: {  	_ = 	snop  }
0x4: {  	_ = 	snop  }
0x5: {  	_ = 	snop  }
0x6: {  	_ = 	snop  }
0x7: {  	_ = 	snop  }
__scs_overlays_trampoline_lowered:
0x8: {  	[smem:$0x3FA9] =	sst s0  }
0x9: {  	[smem:$0x3FAA] =	sst s1  }
0xa: {  	[smem:$0x3FAB] =	sst s2  }
0xb: {  	[smem:$0x3FAC] =	sst s3  }
0xc: {  	[smem:$0x3FAD] =	sst s4  }
0xd: {  	[smem:$0x3FAE] =	sst s5  }
0xe: {  	[smem:$0x3FAF] =	sst s6  }
0xf: {  	[smem:$0x3FB0] =	sst s7  }
0x10: {  	[smem:$0x3FB1] =	sst s8  }
0x11: {  	[smem:$0x3FB2] =	sst s9;
	s0 =	simm.s32 @!p0 $0x0  }
0x12: {  	s1 =	sld [smem:$0x3F98];
	s0 =	simm.s32 @p0 $0x1  }
0x13: {  	[smem:$0x3FB3] =	sst s0;
	s0 =	simm.s32 @!p1 $0x0  }
0x14: {  	s2 =	sld [smem:$0x3F97];
	s0 =	simm.s32 @p1 $0x1  }
0x15: {  	[smem:$0x3FB4] =	sst s0;
	s0 =	simm.s32 @!p2 $0x0  }
0x16: {  	s3 =	sld [smem:$0x3FDB];
	s0 =	simm.s32 @p2 $0x1  }
0x17: {  	s4 =	simm.s32 $0x1BF5;
	[smem:$0x3FB6] =	sst s0  }
0x18: {  	s0 =	sld [smem:$0x3F99];
	_ =	swait.ge [sflag:s4], $0x0  }
0x19: {  	s7 =	sld [smem:$0x3F9A]  }
0x1a: {  	s8 =	sadd.s32 $0xFFFFE003, lr  }
0x1b: {  	s9 =	sadd.s32 $0xFFFFFEF7, lr;
	s5 =	simm.s32 $0xFFFFFFFF;
	p2 =	slt.u32 s8, $0xFFFFF086  }
0x1c: {  	p1 =	slt.u32 s9, $0xF7A;
	s5 =	simm.s32 @!p2 $0x0  }
0x1d: {  	s5 =	simm.s32 @p1 $0x1;
	p0 =	seq.s32 s7, s2  }
0x1e: {  	s7 =	smul.u32 @!p0 $0xF7A, s2;
	p2 =	seq.s32 @!p0 s5, $0x0  }
0x1f: {  	s9 =	smul.u32 $0xF7A, s1;
	s8 =	simm.s32 @!p0 $0x1BF5;
	p2 =	por !p2, p0  }
0x20: {  	[sflag:s8] =	ssyncset.s32 @!p0 $0xFFFFF086;
	s6 =	sadd.s32 @!p0 s3, s7;
	s7 =	simm.s32 @!p0 $0x108  }
0x21: {  	s3 =	sadd.s32 s3, s9;
	s6 =	sadd.s32 @!p0 $0x88, s6;
	s7 =	simm.s32 @p2 $0x1082  }
0x22: {  	[simem:s7], [sflag:s8] =	dma.local @!p0 [hbm:s6], $0xF7A  }
0x23: {  	s9 =	sor.u32 $0xD0000000, s2;
	s6 =	simm.s32 $0x108;
	_ =	swait.ge @!p0 [sflag:s8], $0x0  }
0x24: {  	s3 =	sadd.s32 $0x88, s3;
	s6 =	simm.s32 @!p1 $0x1082;
	[sflag:s4] =	ssyncset.s32 $0xFFFFF086  }
0x25: {  	[simem:s6], [sflag:s4] =	dma.local [hbm:s3], $0xF7A  }
0x26: {  	[smem:$0x3F9A] =	sst s1;
	(tag) =	ssettag s2;
	_ =	strace s9  }
0x27: {  	s1 =	sld [smem:$0x3FAA]  }
0x28: {  	s2 =	sld [smem:$0x3FAB]  }
0x29: {  	s4 =	sld [smem:$0x3FAD]  }
0x2a: {  	p0 =	seq.s32 s5, $0x0;
	s5 =	sld [smem:$0x3FAE]  }
0x2b: {  	s6 =	sld [smem:$0x3FAF]  }
0x2c: {  	s7 =	sld [smem:$0x3FB0]  }
0x2d: {  	s3 =	simm.s32 $0x108;
	s8 =	sld [smem:$0x3FB1]  }
0x2e: {  	s3 =	simm.s32 @!p0 $0x1082;
	s9 =	sld [smem:$0x3FB2]  }
0x2f: {  	lr =	sadd.s32 s0, s3;
	s0 =	sld [smem:$0x3FA9]  }
0x30: {  	s3 =	sld [smem:$0x3FAC]  }
0x31: {  	[smem:$0x3FB5] =	sst s10  }
0x32: {  	s10 =	sld [smem:$0x3FB3];
	_ =	sdelay $0x3  }
0x33: {  	p0 =	seq.s32 s10, $0x1;
	s10 =	sld [smem:$0x3FB5];
	_ =	sdelay $0x3  }
0x34: {  	[smem:$0x3FB5] =	sst s10  }
0x35: {  	s10 =	sld [smem:$0x3FB4];
	_ =	sdelay $0x3  }
0x36: {  	p1 =	seq.s32 s10, $0x1;
	s10 =	sld [smem:$0x3FB5];
	_ =	sdelay $0x3  }
0x37: {  	[smem:$0x3FB5] =	sst s10  }
0x38: {  	s10 =	sld [smem:$0x3FB6]  }
0x39: {  	_ = 	snop;
	(pc) =	sbr.ind lr, $3  }
0x3a: {  	_ = 	snop  }
0x3b: {  	_ = 	snop  }
0x3c: {  	p2 =	seq.s32 s10, $0x1;
	s10 =	sld [smem:$0x3FB5]  }
0x3d: {  	_ =	shalt  }
0x3e: {  	_ =	shalt  }
0x3f: {  	_ =	shalt  }
0x40: {  	_ =	shalt  }
0x41: {  	_ =	shalt  }
0x42: {  	_ =	shalt  }
0x43: {  	_ =	shalt  }
0x44: {  	_ =	shalt  }
0x45: {  	_ =	shalt  }
0x46: {  	_ =	shalt  }
0x47: {  	_ =	shalt  }
0x48: {  	_ =	shalt  }
0x49: {  	_ =	shalt  }
0x4a: {  	_ =	shalt  }
0x4b: {  	_ =	shalt  }
0x4c: {  	_ =	shalt  }
0x4d: {  	_ =	shalt  }
0x4e: {  	_ =	shalt  }
0x4f: {  	_ =	shalt  }
0x50: {  	_ =	shalt  }
0x51: {  	_ =	shalt  }
0x52: {  	_ =	shalt  }
0x53: {  	_ =	shalt  }
0x54: {  	_ =	shalt  }
0x55: {  	_ =	shalt  }
0x56: {  	_ =	shalt  }
0x57: {  	_ =	shalt  }
0x58: {  	_ =	shalt  }
0x59: {  	_ =	shalt  }
0x5a: {  	_ =	shalt  }
0x5b: {  	_ =	shalt  }
0x5c: {  	_ =	shalt  }
0x5d: {  	_ =	shalt  }
0x5e: {  	_ =	shalt  }
0x5f: {  	_ =	shalt  }
0x60: {  	_ =	shalt  }
0x61: {  	_ =	shalt  }
0x62: {  	_ =	shalt  }
0x63: {  	_ =	shalt  }
0x64: {  	_ =	shalt  }
0x65: {  	_ =	shalt  }
0x66: {  	_ =	shalt  }
0x67: {  	_ =	shalt  }
0x68: {  	_ =	shalt  }
0x69: {  	_ =	shalt  }
0x6a: {  	_ =	shalt  }
0x6b: {  	_ =	shalt  }
0x6c: {  	_ =	shalt  }
0x6d: {  	_ =	shalt  }
0x6e: {  	_ =	shalt  }
0x6f: {  	_ =	shalt  }
0x70: {  	_ =	shalt  }
0x71: {  	_ =	shalt  }
0x72: {  	_ =	shalt  }
0x73: {  	_ =	shalt  }
0x74: {  	_ =	shalt  }
0x75: {  	_ =	shalt  }
0x76: {  	_ =	shalt  }
0x77: {  	_ =	shalt  }
0x78: {  	_ =	shalt  }
0x79: {  	_ =	shalt  }
0x7a: {  	_ =	shalt  }
0x7b: {  	_ =	shalt  }
0x7c: {  	_ =	shalt  }
0x7d: {  	_ =	shalt  }
0x7e: {  	_ =	shalt  }
0x7f: {  	_ =	shalt  }
0x80: {  	_ =	shalt  }
0x81: {  	_ =	shalt  }
0x82: {  	_ =	shalt  }
0x83: {  	_ =	shalt  }
0x84: {  	_ =	shalt  }
0x85: {  	_ =	shalt  }
0x86: {  	_ =	shalt  }
0x87: {  	_ =	shalt  }
.Lfunc_end0:
.L_simem_size_0:
called_computation_lowered:
.L_overlay_start_0:
0x88: {  	s2 =	sld [smem:$0x3FD9]  }
0x89: {  	s3 =	sld [smem:$0x3FFE];
	_ =	sdelay $0x1  }
0x8a: {  	s1 =	srdreg.scid  }
0x8b: {  	s0 =	sand.u32 $0x1, s1  }
0x8c: {  	s17 =	sshll.u32 s0, $0xA;
	s2 =	sadd.s32 s3, s2  }
0x8d: {  	s2 =	sadd.s32 s2, s17  }
0x8e: {  	[smem:$0x3FC1] =	sst s2  }
0x8f: {  	_ = 	snop  }
0x90: {  	s2 =	sld [smem:$0x3FC9]  }
0x91: {  	s18 =	sld [smem:$0x3FC8]  }
0x92: {  	s4 =	sld [smem:$0x3FC7]  }
0x93: {  	s5 =	sld [smem:$0x3FD0];
	(tm) =	ssettm $0x1  }
0x94: {  	s6 =	sld [smem:$0x3FFB];
	_ =	sdelay $0x3  }
0x95: {  	_ =	strace s6  }
0x96: {  	s6 =	sld [smem:$0x3FFC];
	_ =	sdelay $0x3  }
0x97: {  	_ =	strace s6  }
0x98: {  	s6 =	sld [smem:$0x3FFD];
	_ =	sdelay $0x3  }
0x99: {  	_ =	strace s6  }
0x9a: {  	_ =	strace $0x8FFFFFFF  }
0x9b: {  	s19 =	sld [smem:$0x3FDB];
	_ =	sdelay $0x1  }
0x9c: {  	s7 =	simm.s32 $_scs_section_size  }
0x9d: {  	s8 =	simm.s32 $_size__tile_overlayer_lowered;
	s9 =	simm.s32 $_tile_overlayer_lowered  }
0x9e: {  	s22 =	simm.s32 $0x1BFF;
	s21 =	sshll.u32 s9, $0x1;
	s6 =	sadd.s32 s7, s19  }
0x9f: {  	s10 =	simm.s32 $0x0;
	s20 =	sshll.u32 s8, $0x1;
	s8 =	sadd.s32 s21, s6  }
0xa0: {  	[timem:s10], [sflag:s22] =	dma.local [hbm:s8], s20  }
0xa1: {  	_ =	swait.ge [sflag:s22], s20  }
0xa2: {  	s7 =	ssub.s32 $0x0, s20;
	[sflag:s22] =	ssyncset.done $0x0  }
0xa3: {  	[sflag:s22] =	ssyncadd.s32 s7;
	_ =	sdelay $0x1  }
0xa4: {  	s23 =	simm.s32 $0x1B8B  }
0xa5: {  	_ =	swait.ge [sflag:s23], $0x1  }
0xa6: {  	[sflag:s23] =	ssyncset.done $0x0  }
0xa7: {  	s25 =	simm.s32 $0x1B8E;
	s24 =	sld [smem:$0x3FFE];
	[sflag:s23] =	ssyncadd.s32 $0xFFFFFFFF  }
0xa8: {  	s26 =	simm.s32 $execute0_lowered;
	[smem:$0x3FD2] =	sst s25  }
0xa9: {  	s8 =	sshll.u32 s26, $0x1;
	_ =	strace $0x80000046;
	[dreg:$0x1] =	wrdreg $0xFFFFFFFF  }
0xaa: {  	s28 =	simm.s32 $_size_execute0_lowered;
	s6 =	sadd.s32 s6, s8;
	[dreg:$0x0] =	wrdreg $0x0  }
0xab: {  	s8 =	sshll.u32 s28, $0x1;
	[dreg:$0x2] =	wrdreg s6  }
0xac: {  	[dreg:$0x3] =	wrdreg s8  }
0xad: {  	[dreg:$0x4] =	wrdreg $0xC0  }
0xae: {  	_ =	task [dreg:s10], $0x5FFFF  }
0xaf: {  	[dreg:$0x1] =	wrdreg $0xFFFFFFFF  }
0xb0: {  	[dreg:$0x0] =	wrdreg $0x60  }
0xb1: {  	[dreg:$0x2] =	wrdreg s2  }
0xb2: {  	[dreg:$0x3] =	wrdreg s18  }
0xb3: {  	[dreg:$0x4] =	wrdreg s4  }
0xb4: {  	[dreg:$0x5] =	wrdreg s24  }
0xb5: {  	[dreg:$0x6] =	wrdreg s5  }
0xb6: {  	[dreg:$0x7] =	wrdreg $0x9  }
0xb7: {  	_ =	task.clear_ibuf [dreg:s10], $0x8FFFF;
	_ =	strace $0x90000046  }
0xb8: {  	s29 =	simm.s32 $0x9;
	_ =	strace $0x80000048  }
0xb9: {  	_ =	swait.ge [sflag:s29], $0x1  }
0xba: {  	[sflag:s29] =	ssyncadd.s32 $0xFFFFFFFF  }
0xbb: {  	_ =	strace $0x90000048  }
0xbc: {  	_ =	sfence  }
0xbd: {  	s30 =	sld [smem:$0x0];
	_ =	sdelay $0x2  }
0xbe: {  	s31 =	sshll.u32 s1, $0xD;
	s1 =	sshrl.u32 s1, $0x2  }
0xbf: {  	s3 =	sand.u32 $0x4000, s31;
	s1 =	sadd.s32 s1, s30  }
0xc0: {  	s0 =	sor.u32 s3, s0;
	s1 =	sshll.u32 s1, $0x11  }
0xc1: {  	s0 =	sor.u32 s1, s0  }
0xc2: {  	s0 =	sadd.s32 $0x8F2B, s0  }
0xc3: {  	[sflag:s0] =	ssyncadd.remote.s32 $0x1  }
0xc4: {  	_ =	sfence.sel $0xFFFF  }
0xc5: {  	[dreg:$0x0] =	wrdreg $0xFFFFFFFF;
	(pc) =	sbr.abs _section_cstart, $3  }
0xc6: {  	[dreg:$0x1] =	wrdreg $0xFFFFFFFF  }
0xc7: {  	_ =	task.clear_ibuf [dreg:s10], $0x2FFFF;
	_ =	strace $0x9FFFFFFF  }
0xc8: {  	(tm) =	ssettm $0x7FFFFFFF  }
0xc9: {  	_ =	shalt  }
tec
execute0_lowered:
.L_overlay_start_1:
0x0: {  	(tag) =	ssettag $0x1  }
0x1: {  	s0 =	rddreg [dreg:$0x0]  }
0x2: {  	s2 =	rddreg [dreg:$0x1]  }
0x3: {  	s8 =	rddreg [dreg:$0x2]  }
0x4: {  	s5 =	rddreg [dreg:$0x3]  }
0x5: {  	s9 =	rddreg [dreg:$0x4]  }
0x6: {  	s1 =	simm.s32 $0x0;
	s6 =	srdreg.scid;
	s10 =	stileid.u32  }
0x7: {  	s12 =	simm.s32 $0x200;
	s13 =	simm.s32 $0x400;
	s14 =	simm.s32 $0x80  }
0x8: {  	s23 =	simm.s32 $0x100;
	s24 =	simm.s32 $0x700;
	s25 =	simm.s32 $0x300  }
0x9: {  	s26 =	simm.s32 $0x900;
	s28 =	simm.s32 $0x500;
	s29 =	simm.s32 $0xB00  }
0xa: {  	s30 =	simm.s32 $0x180;
	s31 =	simm.s32 $0x780;
	s15 =	simm.s32 $0x580  }
0xb: {  	s16 =	simm.s32 $0xB80;
	s17 =	simm.s32 $0x1;
	s18 =	simm.s32 $0xC00  }
0xc: {  	s19 =	simm.s32 $0x0;
	[smem:$0x7FF] =	sst s1;
	s3 =	sadd.s32 $0x800, s5  }
0xd: {  	s4 =	sadd.s32 $0x20800, s5;
	s6 =	sand.u32 $0x1, s6;
	s10 =	sshll.u32 s10, $0x7  }
0xe: {  	s5 =	sadd.s32 $0x40800, s5;
	s7 =	ssub.s32 $0x2, s6;
	s6 =	sshll.u32 s6, $0x6  }
0xf: {  	_ =	strace $0x80000047;
	s11 =	sshrl.u32 s7, $0x1;
	s10 =	sor.u32 s6, s10  }
0x10: {  	s11 =	ssub.s32 s7, s11;
	s6 =	sadd.s32 s0, s10;
	s7 =	sadd.s32 s2, s10  }
0x11: {  	s8 =	sadd.s32 s8, s10;
	s9 =	sadd.s32 s9, s10;
	s0 =	simm.s32 $0x380  }
0x12: {  	s2 =	simm.s32 $0x980;
	s10 =	smax.u32 s11, $0x1;
	s11 =	simm.s32 $0x2  }
.LBB2_1:
0x13: {  	[tilespmem:s1], [sflag:$0x2] =	stream.linear.gather [hbm4b:s6+s1], $0x200, $0x38;
	[tilespmem:$0xE00] =	vst v63  }
0x14: {  	_ =	swait.ge [sflag:s11], $0x200  }
0x15: {  	[sflag:s11] =	ssyncset.done $0x0  }
0x16: {  	[sflag:s11] =	ssyncadd.s32 $0xFFFFFE00  }
0x17: {  	[tilespmem:s12], [sflag:$0x2] =	stream.linear.gather [hbm4b:s7+s1], $0x200, $0x38;
	[tilespmem:$0xE00] =	vst v63  }
0x18: {  	_ =	swait.ge [sflag:s11], $0x200  }
0x19: {  	[sflag:s11] =	ssyncset.done $0x0  }
0x1a: {  	[sflag:s11] =	ssyncadd.s32 $0xFFFFFE00  }
0x1b: {  	[tilespmem:s13], [sflag:$0x2] =	stream.linear.gather [hbm4b:s8+s1], $0x200, $0x38;
	[tilespmem:$0xE00] =	vst v63  }
0x1c: {  	_ =	swait.ge [sflag:s11], $0x200  }
0x1d: {  	[sflag:s11] =	ssyncset.done $0x0  }
0x1e: {  	s20 =	simm.s32 $0x600;
	[sflag:s11] =	ssyncadd.s32 $0xFFFFFE00  }
0x1f: {  	[tilespmem:s20], [sflag:$0x1] =	stream.indirect.gather [hbm4b:s3+s14], $0x1, s1, s14, $0xb8;
	[tilespmem:$0xE00] =	vst v63  }
0x20: {  	s21 =	simm.s32 $0x800  }
0x21: {  	[tilespmem:s21], [sflag:$0x1] =	stream.indirect.gather [hbm4b:s4+s14], $0x1, s12, s14, $0xb8;
	[tilespmem:$0xE00] =	vst v63  }
0x22: {  	s22 =	simm.s32 $0xA00  }
0x23: {  	[tilespmem:s22], [sflag:$0x1] =	stream.indirect.gather [hbm4b:s5+s14], $0x1, s13, s14, $0xb8;
	[tilespmem:$0xE00] =	vst v63  }
0x24: {  	s21 =	simm.s32 $0x680  }
0x25: {  	[tilespmem:s21], [sflag:$0x1] =	stream.indirect.gather [hbm4b:s3+s14], $0x1, s14, s14, $0xb8;
	[tilespmem:$0xE00] =	vst v63  }
0x26: {  	s22 =	simm.s32 $0x280;
	s21 =	simm.s32 $0x880  }
0x27: {  	[tilespmem:s21], [sflag:$0x1] =	stream.indirect.gather [hbm4b:s4+s14], $0x1, s22, s14, $0xb8;
	[tilespmem:$0xE00] =	vst v63  }
0x28: {  	s21 =	simm.s32 $0x480;
	s22 =	simm.s32 $0xA80  }
0x29: {  	[tilespmem:s22], [sflag:$0x1] =	stream.indirect.gather [hbm4b:s5+s14], $0x1, s21, s14, $0xb8;
	[tilespmem:$0xE00] =	vst v63  }
0x2a: {  	_ = 	snop  }
0x2b: {  	[tilespmem:s24], [sflag:$0x1] =	stream.indirect.gather [hbm4b:s3+s14], $0x1, s23, s14, $0xb8;
	[tilespmem:$0xE00] =	vst v63  }
0x2c: {  	_ = 	snop  }
0x2d: {  	[tilespmem:s26], [sflag:$0x1] =	stream.indirect.gather [hbm4b:s4+s14], $0x1, s25, s14, $0xb8;
	[tilespmem:$0xE00] =	vst v63  }
0x2e: {  	_ = 	snop  }
0x2f: {  	[tilespmem:s29], [sflag:$0x1] =	stream.indirect.gather [hbm4b:s5+s14], $0x1, s28, s14, $0xb8;
	[tilespmem:$0xE00] =	vst v63  }
0x30: {  	_ = 	snop  }
0x31: {  	[tilespmem:s31], [sflag:$0x1] =	stream.indirect.gather [hbm4b:s3+s14], $0x1, s30, s14, $0xb8;
	[tilespmem:$0xE00] =	vst v63  }
0x32: {  	_ = 	snop  }
0x33: {  	[tilespmem:s2], [sflag:$0x1] =	stream.indirect.gather [hbm4b:s4+s14], $0x1, s0, s14, $0xb8;
	[tilespmem:$0xE00] =	vst v63  }
0x34: {  	_ = 	snop  }
0x35: {  	[tilespmem:s16], [sflag:$0x1] =	stream.indirect.gather [hbm4b:s5+s14], $0x1, s15, s14, $0xb8;
	[tilespmem:$0xE00] =	vst v63  }
0x36: {  	_ =	swait.ge [sflag:s17], $0x80  }
0x37: {  	[sflag:s17] =	ssyncset.done $0x0  }
0x38: {  	[sflag:s17] =	ssyncadd.s32 $0xFFFFFF80  }
0x39: {  	_ =	swait.ge [sflag:s17], $0x80  }
0x3a: {  	[sflag:s17] =	ssyncset.done $0x0  }
0x3b: {  	[sflag:s17] =	ssyncadd.s32 $0xFFFFFF80  }
0x3c: {  	_ =	swait.ge [sflag:s17], $0x80  }
0x3d: {  	[sflag:s17] =	ssyncset.done $0x0  }
0x3e: {  	[sflag:s17] =	ssyncadd.s32 $0xFFFFFF80  }
0x3f: {  	_ =	swait.ge [sflag:s17], $0x80  }
0x40: {  	[sflag:s17] =	ssyncset.done $0x0  }
0x41: {  	[sflag:s17] =	ssyncadd.s32 $0xFFFFFF80  }
0x42: {  	_ =	swait.ge [sflag:s17], $0x80  }
0x43: {  	[sflag:s17] =	ssyncset.done $0x0  }
0x44: {  	[sflag:s17] =	ssyncadd.s32 $0xFFFFFF80  }
0x45: {  	_ =	swait.ge [sflag:s17], $0x80  }
0x46: {  	[sflag:s17] =	ssyncset.done $0x0  }
0x47: {  	[sflag:s17] =	ssyncadd.s32 $0xFFFFFF80  }
0x48: {  	_ =	swait.ge [sflag:s17], $0x80  }
0x49: {  	[sflag:s17] =	ssyncset.done $0x0  }
0x4a: {  	[sflag:s17] =	ssyncadd.s32 $0xFFFFFF80  }
0x4b: {  	_ =	swait.ge [sflag:s17], $0x80  }
0x4c: {  	[sflag:s17] =	ssyncset.done $0x0  }
0x4d: {  	[sflag:s17] =	ssyncadd.s32 $0xFFFFFF80  }
0x4e: {  	_ =	swait.ge [sflag:s17], $0x80  }
0x4f: {  	[sflag:s17] =	ssyncset.done $0x0  }
0x50: {  	[sflag:s17] =	ssyncadd.s32 $0xFFFFFF80  }
0x51: {  	_ =	swait.ge [sflag:s17], $0x80  }
0x52: {  	[sflag:s17] =	ssyncset.done $0x0  }
0x53: {  	[sflag:s17] =	ssyncadd.s32 $0xFFFFFF80  }
0x54: {  	_ =	swait.ge [sflag:s17], $0x80  }
0x55: {  	[sflag:s17] =	ssyncset.done $0x0  }
0x56: {  	[sflag:s17] =	ssyncadd.s32 $0xFFFFFF80  }
0x57: {  	_ =	swait.ge [sflag:s17], $0x80  }
0x58: {  	[sflag:s17] =	ssyncset.done $0x0  }
0x59: {  	s20 =	simm.s32 $0x0;
	[sflag:s17] =	ssyncadd.s32 $0xFFFFFF80  }
0x5a: {  	v0 =	vld [tilespmem:s20+$0x600]  }
0x5b: {  	v1 =	vld [tilespmem:s20+$0x800];
	_ =	sdelay $0x1  }
0x5c: {  	v2 =	vld [tilespmem:s20+$0xA00]  }
0x5d: {  	s21 =	simm.s32 $0x40  }
.LBB2_2:
0x5e: {  	s22 =	sshra.s32 s21, $0x2;
	p0 =	sne.s32 s21, $0x7C0  }
.Ltmp0:
0x5f: {  	s21 =	sadd.s32 $0x40, s21;
	v3 =	vadd.f32 v1, v0;
	v0 =	vld [tilespmem:s22+$0x600];
	(pc) =	sbr.rel @p0 .LBB2_2-.Ltmp0, $4  }
0x60: {  	v1 =	vld [tilespmem:s22+$0x800]  }
0x61: {  	v3 =	vadd.f32 v2, v3  }
0x62: {  	v2 =	vld [tilespmem:s22+$0xA00]  }
0x63: {  	[tilespmem:s20+$0xC00] =	vst v3;
	s20 =	smov.u32 s22  }
0x64: {  	_ = 	snop  }
0x65: {  	v0 =	vadd.f32 v1, v0;
	_ =	sdelay $0x1  }
0x66: {  	s19 =	sadd.s32 $0x1, s19;
	v0 =	vadd.f32 v2, v0  }
0x67: {  	p0 =	sne.s32 s19, s10  }
.Ltmp1:
0x68: {  	[tilespmem:s20+$0xC00] =	vst v0;
	(pc) =	sbr.rel @p0 .LBB2_1-.Ltmp1, $4  }
0x69: {  	[hbm4b:s9+s1] =	stream.linear.scatter [tilespmem:s18], [sflag:$0x2], $0x200, $0x38;
	[tilespmem:$0xE00] =	vst v63  }
0x6a: {  	_ =	swait.ge [sflag:s11], $0x200  }
0x6b: {  	[sflag:s11] =	ssyncset.done $0x0  }
0x6c: {  	[sflag:s11] =	ssyncadd.s32 $0xFFFFFE00  }
0x6d: {  	_ =	sfence.sel $0x180000  }
0x6e: {  	[bflag:$0x0] =	sbarrier.arrive $0xFFFF  }
0x6f: {  	_ =	strace $0x90000047  }
0x70: {  	s0 =	stileid.u32;
	[bflag:$0x2] =	sbarrier.arrive $0xFFFF  }
0x71: {  	p0 =	sne.s32 s0, $0x0;
	s0 =	rddreg [dreg:$0x5]  }
0x72: {  	s0 =	sadd.s32 @!p0 $0x100000, s0  }
0x73: {  	[sflag:s0] =	ssyncadd.tile.s32 @!p0 $0x1;
	_ =	shalt  }
.Lfunc_end2:
_tile_overlayer_lowered:
.L_overlay_start_2:
0x74: {  	(tag) =	ssettag $0x2  }
0x75: {  	s0 =	rddreg [dreg:$0x0];
	s2 =	stileid.u32  }
0x76: {  	s1 =	rddreg [dreg:$0x1];
	p0 =	sne.s32 s2, $0x0  }
0x77: {  	s3 =	rddreg [dreg:$0x2];
	[bflag:$0x3] =	sbarrier.arrive $0xFFFF;
	s2 =	simm.s32 @!p0 $0x1C02  }
0x78: {  	[timem:s3], [sflag:s2] =	dma.local @!p0 [hbm:s0], s1  }
0x79: {  	s0 =	simm.s32 @!p0 $0x2  }
0x7a: {  	_ =	swait.ge @!p0 [sflag:s0], s1  }
0x7b: {  	s1 =	ssub.s32 @!p0 $0x0, s1;
	[sflag:s0] =	ssyncset.done @!p0 $0x0  }
0x7c: {  	[sflag:s0] =	ssyncadd.s32 @!p0 s1  }
0x7d: {  	[bflag:$0x3] =	sbarrier.arrive $0xFFFF  }
0x7e: {  	_ =	shalt  }

</sc_bundles>
